<compile_context>
chip_gen: v7x
topology: tpu7x:2x2x1
jax: 0.10.2.dev20260603
libtpu: 0.0.44.dev20260713+nightly
codegen_flags: <defaults>
</compile_context>

<pallas_src>
import functools

import jax
import jax.numpy as jnp
from jax import lax
from jax.experimental import pallas as pl
from jax.experimental.pallas import tpu as pltpu
from jax.experimental.pallas import tpu_sc as plsc

DIM = 64
NB = 1024
NT = 200
B = NB * NT
NC, NS = 2, 16
NW = NC * NS
BPW = B // NW
CHUNK = 128
NCHUNK = BPW // CHUNK

_sc_mesh = plsc.VectorSubcoreMesh(core_axis_name="c", subcore_axis_name="s")


@functools.partial(
    pl.kernel,
    out_type=jax.ShapeDtypeStruct((B, 2 * DIM), jnp.float32),
    mesh=_sc_mesh,
    scratch_types=[
        pltpu.VMEM((NCHUNK, CHUNK), jnp.int32),
        pltpu.VMEM((2, CHUNK, 2 * DIM), jnp.float32),
        pltpu.SemaphoreType.DMA((2,)),
        pltpu.SemaphoreType.DMA((2,)),
    ],
)
def _gather_sc(tab_hbm, src_hbm, out_hbm, idx_v, rows_v, gsem, ssem):
    cid = lax.axis_index("c")
    sid = lax.axis_index("s")
    wid = sid * NC + cid
    base = wid * BPW
    pltpu.sync_copy(src_hbm.at[wid], idx_v)

    def step(s, carry):
        b = s % 2
        pb = (s + 1) % 2

        @pl.when(s >= 2)
        def _():
            pltpu.make_async_copy(
                rows_v.at[b], out_hbm.at[pl.ds(base, CHUNK)], ssem.at[b]
            ).wait()

        @pl.when(s < NCHUNK)
        def _():
            pltpu.async_copy(tab_hbm.at[idx_v.at[s]], rows_v.at[b], gsem.at[b])

        @pl.when(s >= 1)
        def _():
            prev = s - 1
            pltpu.make_async_copy(
                tab_hbm.at[idx_v.at[prev]], rows_v.at[pb], gsem.at[pb]
            ).wait()
            pltpu.async_copy(
                rows_v.at[pb],
                out_hbm.at[pl.ds(base + prev * CHUNK, CHUNK)],
                ssem.at[pb],
            )

        return carry

    lax.fori_loop(0, NCHUNK + 1, step, 0)
    pltpu.make_async_copy(
        rows_v.at[1], out_hbm.at[pl.ds(base, CHUNK)], ssem.at[1]
    ).wait()


BT = 8


def _rot_body(t_ref, a_ref, w_ref, g_ref, or_ref, oi_ref):
    tot = a_ref[...] + w_ref[...] + t_ref[...]
    c = jnp.cos(tot)
    s = jnp.sin(tot)
    re = g_ref[:, :DIM, :]
    im = g_ref[:, DIM:, :]
    or_ref[...] = re * c - im * s
    oi_ref[...] = re * s + im * c


_rotate_tc = pl.pallas_call(
    _rot_body,
    out_shape=[
        jax.ShapeDtypeStruct((NT, DIM, NB), jnp.float32),
        jax.ShapeDtypeStruct((NT, DIM, NB), jnp.float32),
    ],
    grid=(NT // BT,),
    in_specs=[
        pl.BlockSpec((1, DIM, NB), lambda i: (0, 0, 0)),
        pl.BlockSpec((BT, DIM, NB), lambda i: (i, 0, 0)),
        pl.BlockSpec((BT, DIM, NB), lambda i: (i, 0, 0)),
        pl.BlockSpec((BT, 2 * DIM, NB), lambda i: (i, 0, 0)),
    ],
    out_specs=[
        pl.BlockSpec((BT, DIM, NB), lambda i: (i, 0, 0)),
        pl.BlockSpec((BT, DIM, NB), lambda i: (i, 0, 0)),
    ],
    compiler_params=pltpu.CompilerParams(
        dimension_semantics=("arbitrary",),
    ),
)


def kernel(angles, sources, word_angles, emb_real, emb_imag, log_rotary_denom):
    tab = jnp.concatenate([emb_real, emb_imag], axis=1)
    src = sources.reshape(NW, NCHUNK, CHUNK)
    g = _gather_sc(tab, src)

    aT = jnp.transpose(angles, (1, 2, 0))
    wT = jnp.transpose(word_angles, (1, 2, 0))
    gT = jnp.transpose(g.reshape(NB, NT, 2 * DIM), (1, 2, 0))

    d_idx = jnp.arange(DIM, dtype=jnp.float32)
    ta = jnp.exp(-log_rotary_denom.astype(jnp.float32) * d_idx / DIM)
    t_blk = jnp.broadcast_to(ta.reshape(1, DIM, 1), (1, DIM, NB))

    our, oui = _rotate_tc(t_blk, aT, wT, gT)
    return jnp.transpose(lax.complex(our, oui), (2, 0, 1))

# --- scband reference (transcript-rebuilt; emitter-appended) ---
"""Pipeline reference for scband-output-89902255440858 (READ-ONLY COPY).

The authoritative reference and input builder live on the scoring server;
editing this copy changes nothing except your own understanding.
"""

import jax, jax.numpy as jnp
import numpy as np

VOCAB = 100000
DIM = 64
ROTARY_DENOM = 0.5


def setup_inputs(seed: int = 0) -> dict:
    key = jax.random.key(seed)
    k1, k2, k3, k4, k5 = jax.random.split(key, 5)
    angles = jax.random.normal(k1, (1024, 200, DIM), dtype=jnp.float32)
    word_angles = jax.random.normal(k2, (1024, 200, DIM), dtype=jnp.float32)
    sources = jax.random.randint(k3, (1024, 200), 0, VOCAB, dtype=jnp.int32)
    # learned parameters (torch nn.Embedding default init: N(0,1))
    emb_real = jax.random.normal(k4, (VOCAB, DIM), dtype=jnp.float32)
    emb_imag = jax.random.normal(k5, (VOCAB, DIM), dtype=jnp.float32)
    log_rotary_denom = jnp.asarray(ROTARY_DENOM, dtype=jnp.float32)
    return {
        "angles": angles,
        "sources": sources,
        "word_angles": word_angles,
        "emb_real": emb_real,
        "emb_imag": emb_imag,
        "log_rotary_denom": log_rotary_denom,
    }


def reference(angles, sources, word_angles, emb_real, emb_imag, log_rotary_denom):
    # dimension_indices is a non-trainable buffer (requires_grad=False)
    dimension_indices = jnp.arange(0, DIM, dtype=jnp.float32)
    # time_angle = 1 / (e ** log_rotary_denom) ** (dim_idx / dim)
    time_angle = 1.0 / (jnp.e ** log_rotary_denom) ** (dimension_indices / DIM)
    total_angles = time_angle + angles
    total_angles = total_angles + word_angles  # local_coordinating=True
    rotation = jax.lax.complex(jnp.cos(total_angles), jnp.sin(total_angles))
    # embedding lookup -> complex embedding
    real = jnp.take(emb_real, sources, axis=0)
    imag = jnp.take(emb_imag, sources, axis=0)
    emb = jax.lax.complex(real, imag)
    return emb * rotation

if __name__ == "__main__":
    import jax
    _d = setup_inputs()
    print(jax.jit(kernel)(*tuple(_d.values())))

</pallas_src>

<mosaic_0001>
#map = affine_map<(d0, d1) -> (0, 0)>
#map1 = affine_map<(d0, d1) -> (0, 0, 0)>
module attributes {stable_mosaic.version = 14 : i64} {
  func.func @_gather_sc(%arg0: i32, %arg1: i32, %arg2: memref<100000x128xf32, #tpu.memory_space<hbm>>, %arg3: memref<32x50x128xi32, #tpu.memory_space<hbm>>, %arg4: memref<204800x128xf32, #tpu.memory_space<hbm>>, %arg5: memref<50x128xi32, #tpu.memory_space<vmem>>, %arg6: memref<2x128x128xf32, #tpu.memory_space<vmem>>, %arg7: memref<2x!tpu.dma_semaphore, #tpu.memory_space<semaphore_mem>>, %arg8: memref<2x!tpu.dma_semaphore, #tpu.memory_space<semaphore_mem>>) attributes {dimension_semantics = [#tpu.dimension_semantics<core_parallel>, #tpu.dimension_semantics<subcore_parallel>], iteration_bounds = array<i64: 2, 16>, scalar_prefetch = 0 : i64, scratch_operands = 4 : i64, tpu.core_type = #tpu.core_type<sc_vector_subcore>, window_params = [{transform_indices = #map}, {transform_indices = #map1}, {transform_indices = #map}]} {
    %mul3A = arith.constant 2 : i32
    %mul3A_0 = arith.muli %arg1, %mul3A : i32
    %add3A = arith.addi %mul3A_0, %arg0 : i32
    %mul3A_1 = arith.constant 6400 : i32
    %mul3A_2 = arith.muli %add3A, %mul3A_1 : i32
    "tpu.region"() ({
      %run_scoped3A = tpu.sem_alloc : memref<!tpu.dma_semaphore, #tpu.memory_space<semaphore_mem>>
      %dma_start3A = arith.constant 0 : i32
      %dma_start3A_23 = arith.constant 0 : i32
      %dma_start3A_24 = tpu.memref_slice %arg3[%add3A, %dma_start3A, %dma_start3A_23] : memref<32x50x128xi32, #tpu.memory_space<hbm>> -> memref<1x50x128xi32, #tpu.memory_space<hbm>>
      %dma_start3A_25 = tpu.memref_squeeze %dma_start3A_24 : memref<1x50x128xi32, #tpu.memory_space<hbm>> -> memref<50x128xi32, #tpu.memory_space<hbm>>
      %dma_start3A_26 = arith.constant 0 : i32
      %dma_start3A_27 = arith.constant 0 : i32
      %dma_start3A_28 = tpu.memref_slice %arg3[%add3A, %dma_start3A_26, %dma_start3A_27] : memref<32x50x128xi32, #tpu.memory_space<hbm>> -> memref<1x50x128xi32, #tpu.memory_space<hbm>>
      %dma_start3A_29 = tpu.memref_squeeze %dma_start3A_28 : memref<1x50x128xi32, #tpu.memory_space<hbm>> -> memref<50x128xi32, #tpu.memory_space<hbm>>
      tpu.enqueue_dma source(%dma_start3A_29 : memref<50x128xi32, #tpu.memory_space<hbm>>) target(%arg5 : memref<50x128xi32, #tpu.memory_space<vmem>>) target_semaphore(%run_scoped3A : memref<!tpu.dma_semaphore, #tpu.memory_space<semaphore_mem>>)
      %dma_wait3A_30 = arith.constant 0 : i32
      %dma_wait3A_31 = arith.constant 0 : i32
      %dma_wait3A_32 = tpu.memref_slice %arg3[%add3A, %dma_wait3A_30, %dma_wait3A_31] : memref<32x50x128xi32, #tpu.memory_space<hbm>> -> memref<1x50x128xi32, #tpu.memory_space<hbm>>
      %dma_wait3A_33 = tpu.memref_squeeze %dma_wait3A_32 : memref<1x50x128xi32, #tpu.memory_space<hbm>> -> memref<50x128xi32, #tpu.memory_space<hbm>>
      %dma_wait3A_34 = arith.constant 0 : i32
      %dma_wait3A_35 = arith.constant 0 : i32
      %dma_wait3A_36 = tpu.memref_slice %arg3[%add3A, %dma_wait3A_34, %dma_wait3A_35] : memref<32x50x128xi32, #tpu.memory_space<hbm>> -> memref<1x50x128xi32, #tpu.memory_space<hbm>>
      %dma_wait3A_37 = tpu.memref_squeeze %dma_wait3A_36 : memref<1x50x128xi32, #tpu.memory_space<hbm>> -> memref<50x128xi32, #tpu.memory_space<hbm>>
      tpu.wait_dma2 semaphore(%run_scoped3A : memref<!tpu.dma_semaphore, #tpu.memory_space<semaphore_mem>>) src(%dma_wait3A_37 : memref<50x128xi32, #tpu.memory_space<hbm>>) dst(%arg5 : memref<50x128xi32, #tpu.memory_space<vmem>>)
      tpu.yield
    }) : () -> ()
    %scan3A = arith.constant 0 : i32
    %scan3A_3 = arith.constant 0 : i32
    %scan3A_4 = arith.constant 51 : i32
    %scan3A_5 = arith.addi %scan3A_3, %scan3A_4 : i32
    %scan3A_6 = arith.constant 1 : i32
    scf.for %scan3A_23 = %scan3A_3 to %scan3A_5 step %scan3A_6  : i32 {
      %jit3A = arith.constant 2 : i32
      %eq3A = arith.constant 0 : i32
      %eq3A_24 = arith.cmpi eq, %jit3A, %eq3A : i32
      %jit3A_25 = arith.constant 1 : i32
      %select_n3A = arith.select %eq3A_24, %jit3A_25, %jit3A : i32
      %rem3A = arith.remsi %scan3A_23, %select_n3A : i32
      %ne3A = arith.constant 0 : i32
      %ne3A_26 = arith.cmpi ne, %rem3A, %ne3A : i32
      %lt3A = arith.constant 0 : i32
      %lt3A_27 = arith.cmpi slt, %rem3A, %lt3A : i32
      %lt3A_28 = arith.constant 0 : i32
      %lt3A_29 = arith.cmpi slt, %select_n3A, %lt3A_28 : i32
      %ne3A_30 = arith.xori %lt3A_27, %lt3A_29 : i1
      %and3A = arith.andi %ne3A_30, %ne3A_26 : i1
      %add3A_31 = arith.addi %rem3A, %select_n3A : i32
      %select_n3A_32 = arith.select %and3A, %add3A_31, %rem3A : i32
      %add3A_33 = arith.constant 1 : i32
      %add3A_34 = arith.addi %scan3A_23, %add3A_33 : i32
      %jit3A_35 = arith.constant 2 : i32
      %eq3A_36 = arith.constant 0 : i32
      %eq3A_37 = arith.cmpi eq, %jit3A_35, %eq3A_36 : i32
      %jit3A_38 = arith.constant 1 : i32
      %select_n3A_39 = arith.select %eq3A_37, %jit3A_38, %jit3A_35 : i32
      %rem3A_40 = arith.remsi %add3A_34, %select_n3A_39 : i32
      %ne3A_41 = arith.constant 0 : i32
      %ne3A_42 = arith.cmpi ne, %rem3A_40, %ne3A_41 : i32
      %lt3A_43 = arith.constant 0 : i32
      %lt3A_44 = arith.cmpi slt, %rem3A_40, %lt3A_43 : i32
      %lt3A_45 = arith.constant 0 : i32
      %lt3A_46 = arith.cmpi slt, %select_n3A_39, %lt3A_45 : i32
      %ne3A_47 = arith.xori %lt3A_44, %lt3A_46 : i1
      %and3A_48 = arith.andi %ne3A_47, %ne3A_42 : i1
      %add3A_49 = arith.addi %rem3A_40, %select_n3A_39 : i32
      %select_n3A_50 = arith.select %and3A_48, %add3A_49, %rem3A_40 : i32
      %ge3A = arith.constant 2 : i32
      %ge3A_51 = arith.cmpi sge, %scan3A_23, %ge3A : i32
      %convert_element_type3A = arith.extui %ge3A_51 : i1 to i32
      %cond3A = arith.constant 0 : i32
      %cond3A_52 = arith.cmpi ne, %convert_element_type3A, %cond3A : i32
      scf.if %cond3A_52 {
        %dma_wait3A_63 = arith.constant 0 : i32
        %dma_wait3A_64 = arith.constant 0 : i32
        %dma_wait3A_65 = tpu.memref_slice %arg6[%select_n3A_32, %dma_wait3A_63, %dma_wait3A_64] : memref<2x128x128xf32, #tpu.memory_space<vmem>> -> memref<1x128x128xf32, #tpu.memory_space<vmem>>
        %dma_wait3A_66 = tpu.memref_squeeze %dma_wait3A_65 : memref<1x128x128xf32, #tpu.memory_space<vmem>> -> memref<128x128xf32, #tpu.memory_space<vmem>>
        %dma_wait3A_67 = arith.constant 0 : i32
        %dma_wait3A_68 = tpu.memref_slice %arg4[%mul3A_2, %dma_wait3A_67] : memref<204800x128xf32, #tpu.memory_space<hbm>> -> memref<128x128xf32, #tpu.memory_space<hbm>>
        %dma_wait3A_69 = tpu.memref_slice %arg8[%select_n3A_32] : memref<2x!tpu.dma_semaphore, #tpu.memory_space<semaphore_mem>> -> memref<1x!tpu.dma_semaphore, #tpu.memory_space<semaphore_mem>>
        %dma_wait3A_70 = tpu.memref_squeeze %dma_wait3A_69 : memref<1x!tpu.dma_semaphore, #tpu.memory_space<semaphore_mem>> -> memref<!tpu.dma_semaphore, #tpu.memory_space<semaphore_mem>>
        %dma_wait3A_71 = arith.constant 0 : i32
        %dma_wait3A_72 = tpu.memref_slice %arg4[%mul3A_2, %dma_wait3A_71] : memref<204800x128xf32, #tpu.memory_space<hbm>> -> memref<128x128xf32, #tpu.memory_space<hbm>>
        %dma_wait3A_73 = arith.constant 0 : i32
        %dma_wait3A_74 = arith.constant 0 : i32
        %dma_wait3A_75 = tpu.memref_slice %arg6[%select_n3A_32, %dma_wait3A_73, %dma_wait3A_74] : memref<2x128x128xf32, #tpu.memory_space<vmem>> -> memref<1x128x128xf32, #tpu.memory_space<vmem>>
        %dma_wait3A_76 = tpu.memref_squeeze %dma_wait3A_75 : memref<1x128x128xf32, #tpu.memory_space<vmem>> -> memref<128x128xf32, #tpu.memory_space<vmem>>
        tpu.wait_dma2 semaphore(%dma_wait3A_70 : memref<!tpu.dma_semaphore, #tpu.memory_space<semaphore_mem>>) src(%dma_wait3A_76 : memref<128x128xf32, #tpu.memory_space<vmem>>) dst(%dma_wait3A_72 : memref<128x128xf32, #tpu.memory_space<hbm>>)
      } else {
      }
      %lt3A_53 = arith.constant 50 : i32
      %lt3A_54 = arith.cmpi slt, %scan3A_23, %lt3A_53 : i32
      %convert_element_type3A_55 = arith.extui %lt3A_54 : i1 to i32
      %cond3A_56 = arith.constant 0 : i32
      %cond3A_57 = arith.cmpi ne, %convert_element_type3A_55, %cond3A_56 : i32
      scf.if %cond3A_57 {
        %dma_start3A = arith.constant 0 : i32
        %dma_start3A_63 = arith.constant 0 : i32
        %dma_start3A_64 = tpu.memref_slice %arg6[%select_n3A_32, %dma_start3A, %dma_start3A_63] : memref<2x128x128xf32, #tpu.memory_space<vmem>> -> memref<1x128x128xf32, #tpu.memory_space<vmem>>
        %dma_start3A_65 = tpu.memref_squeeze %dma_start3A_64 : memref<1x128x128xf32, #tpu.memory_space<vmem>> -> memref<128x128xf32, #tpu.memory_space<vmem>>
        %dma_start3A_66 = arith.constant 0 : i32
        %dma_start3A_67 = tpu.memref_slice %arg5[%scan3A_23, %dma_start3A_66] : memref<50x128xi32, #tpu.memory_space<vmem>> -> memref<1x128xi32, #tpu.memory_space<vmem>>
        %dma_start3A_68 = tpu.memref_squeeze %dma_start3A_67 : memref<1x128xi32, #tpu.memory_space<vmem>> -> memref<128xi32, #tpu.memory_space<vmem>>
        %dma_start3A_69 = arith.constant 0 : i32
        %dma_start3A_70 = arith.constant 0 : i32
        %dma_start3A_71 = tpu.memref_slice %arg2[%dma_start3A_69, %dma_start3A_70] : memref<100000x128xf32, #tpu.memory_space<hbm>> -> memref<100000x128xf32, #tpu.memory_space<hbm>>
        %dma_start3A_72 = tpu.memref_slice %arg7[%select_n3A_32] : memref<2x!tpu.dma_semaphore, #tpu.memory_space<semaphore_mem>> -> memref<1x!tpu.dma_semaphore, #tpu.memory_space<semaphore_mem>>
        %dma_start3A_73 = tpu.memref_squeeze %dma_start3A_72 : memref<1x!tpu.dma_semaphore, #tpu.memory_space<semaphore_mem>> -> memref<!tpu.dma_semaphore, #tpu.memory_space<semaphore_mem>>
        tpu.enqueue_indirect_dma source(%dma_start3A_71 : memref<100000x128xf32, #tpu.memory_space<hbm>>) target(%dma_start3A_65 : memref<128x128xf32, #tpu.memory_space<vmem>>) offsets(%dma_start3A_68 : memref<128xi32, #tpu.memory_space<vmem>>) semaphore(%dma_start3A_73 : memref<!tpu.dma_semaphore, #tpu.memory_space<semaphore_mem>>)
      } else {
      }
      %ge3A_58 = arith.constant 1 : i32
      %ge3A_59 = arith.cmpi sge, %scan3A_23, %ge3A_58 : i32
      %convert_element_type3A_60 = arith.extui %ge3A_59 : i1 to i32
      %cond3A_61 = arith.constant 0 : i32
      %cond3A_62 = arith.cmpi ne, %convert_element_type3A_60, %cond3A_61 : i32
      scf.if %cond3A_62 {
        %sub3A = arith.constant 1 : i32
        %sub3A_63 = arith.subi %scan3A_23, %sub3A : i32
        %dma_wait3A_64 = arith.constant 0 : i32
        %dma_wait3A_65 = arith.constant 0 : i32
        %dma_wait3A_66 = tpu.memref_slice %arg6[%select_n3A_50, %dma_wait3A_64, %dma_wait3A_65] : memref<2x128x128xf32, #tpu.memory_space<vmem>> -> memref<1x128x128xf32, #tpu.memory_space<vmem>>
        %dma_wait3A_67 = tpu.memref_squeeze %dma_wait3A_66 : memref<1x128x128xf32, #tpu.memory_space<vmem>> -> memref<128x128xf32, #tpu.memory_space<vmem>>
        %dma_wait3A_68 = arith.constant 0 : i32
        %dma_wait3A_69 = tpu.memref_slice %arg5[%sub3A_63, %dma_wait3A_68] : memref<50x128xi32, #tpu.memory_space<vmem>> -> memref<1x128xi32, #tpu.memory_space<vmem>>
        %dma_wait3A_70 = tpu.memref_squeeze %dma_wait3A_69 : memref<1x128xi32, #tpu.memory_space<vmem>> -> memref<128xi32, #tpu.memory_space<vmem>>
        %dma_wait3A_71 = arith.constant 0 : i32
        %dma_wait3A_72 = arith.constant 0 : i32
        %dma_wait3A_73 = tpu.memref_slice %arg2[%dma_wait3A_71, %dma_wait3A_72] : memref<100000x128xf32, #tpu.memory_space<hbm>> -> memref<100000x128xf32, #tpu.memory_space<hbm>>
        %dma_wait3A_74 = tpu.memref_slice %arg7[%select_n3A_50] : memref<2x!tpu.dma_semaphore, #tpu.memory_space<semaphore_mem>> -> memref<1x!tpu.dma_semaphore, #tpu.memory_space<semaphore_mem>>
        %dma_wait3A_75 = tpu.memref_squeeze %dma_wait3A_74 : memref<1x!tpu.dma_semaphore, #tpu.memory_space<semaphore_mem>> -> memref<!tpu.dma_semaphore, #tpu.memory_space<semaphore_mem>>
        tpu.wait_indirect_dma semaphore(%dma_wait3A_75 : memref<!tpu.dma_semaphore, #tpu.memory_space<semaphore_mem>>) src(%dma_wait3A_73 : memref<100000x128xf32, #tpu.memory_space<hbm>>) dst(%dma_wait3A_67 : memref<128x128xf32, #tpu.memory_space<vmem>>)
        %mul3A_76 = arith.constant 128 : i32
        %mul3A_77 = arith.muli %sub3A_63, %mul3A_76 : i32
        %add3A_78 = arith.addi %mul3A_2, %mul3A_77 : i32
        %dma_start3A = arith.constant 0 : i32
        %dma_start3A_79 = arith.constant 0 : i32
        %dma_start3A_80 = tpu.memref_slice %arg6[%select_n3A_50, %dma_start3A, %dma_start3A_79] : memref<2x128x128xf32, #tpu.memory_space<vmem>> -> memref<1x128x128xf32, #tpu.memory_space<vmem>>
        %dma_start3A_81 = tpu.memref_squeeze %dma_start3A_80 : memref<1x128x128xf32, #tpu.memory_space<vmem>> -> memref<128x128xf32, #tpu.memory_space<vmem>>
        %dma_start3A_82 = arith.constant 0 : i32
        %dma_start3A_83 = tpu.memref_slice %arg4[%add3A_78, %dma_start3A_82] : memref<204800x128xf32, #tpu.memory_space<hbm>> -> memref<128x128xf32, #tpu.memory_space<hbm>>
        %dma_start3A_84 = tpu.memref_slice %arg8[%select_n3A_50] : memref<2x!tpu.dma_semaphore, #tpu.memory_space<semaphore_mem>> -> memref<1x!tpu.dma_semaphore, #tpu.memory_space<semaphore_mem>>
        %dma_start3A_85 = tpu.memref_squeeze %dma_start3A_84 : memref<1x!tpu.dma_semaphore, #tpu.memory_space<semaphore_mem>> -> memref<!tpu.dma_semaphore, #tpu.memory_space<semaphore_mem>>
        %dma_start3A_86 = arith.constant 0 : i32
        %dma_start3A_87 = tpu.memref_slice %arg4[%add3A_78, %dma_start3A_86] : memref<204800x128xf32, #tpu.memory_space<hbm>> -> memref<128x128xf32, #tpu.memory_space<hbm>>
        %dma_start3A_88 = arith.constant 0 : i32
        %dma_start3A_89 = arith.constant 0 : i32
        %dma_start3A_90 = tpu.memref_slice %arg6[%select_n3A_50, %dma_start3A_88, %dma_start3A_89] : memref<2x128x128xf32, #tpu.memory_space<vmem>> -> memref<1x128x128xf32, #tpu.memory_space<vmem>>
        %dma_start3A_91 = tpu.memref_squeeze %dma_start3A_90 : memref<1x128x128xf32, #tpu.memory_space<vmem>> -> memref<128x128xf32, #tpu.memory_space<vmem>>
        tpu.enqueue_dma source(%dma_start3A_91 : memref<128x128xf32, #tpu.memory_space<vmem>>) target(%dma_start3A_87 : memref<128x128xf32, #tpu.memory_space<hbm>>) target_semaphore(%dma_start3A_85 : memref<!tpu.dma_semaphore, #tpu.memory_space<semaphore_mem>>)
      } else {
      }
    }
    %scan3A_7 = arith.constant 51 : i32
    %dma_wait3A = arith.constant 1 : i32
    %dma_wait3A_8 = arith.constant 1 : i32
    %dma_wait3A_9 = arith.constant 0 : i32
    %dma_wait3A_10 = arith.constant 0 : i32
    %dma_wait3A_11 = tpu.memref_slice %arg6[%dma_wait3A, %dma_wait3A_9, %dma_wait3A_10] : memref<2x128x128xf32, #tpu.memory_space<vmem>> -> memref<1x128x128xf32, #tpu.memory_space<vmem>>
    %dma_wait3A_12 = tpu.memref_squeeze %dma_wait3A_11 : memref<1x128x128xf32, #tpu.memory_space<vmem>> -> memref<128x128xf32, #tpu.memory_space<vmem>>
    %dma_wait3A_13 = arith.constant 0 : i32
    %dma_wait3A_14 = tpu.memref_slice %arg4[%mul3A_2, %dma_wait3A_13] : memref<204800x128xf32, #tpu.memory_space<hbm>> -> memref<128x128xf32, #tpu.memory_space<hbm>>
    %dma_wait3A_15 = tpu.memref_slice %arg8[%dma_wait3A_8] : memref<2x!tpu.dma_semaphore, #tpu.memory_space<semaphore_mem>> -> memref<1x!tpu.dma_semaphore, #tpu.memory_space<semaphore_mem>>
    %dma_wait3A_16 = tpu.memref_squeeze %dma_wait3A_15 : memref<1x!tpu.dma_semaphore, #tpu.memory_space<semaphore_mem>> -> memref<!tpu.dma_semaphore, #tpu.memory_space<semaphore_mem>>
    %dma_wait3A_17 = arith.constant 0 : i32
    %dma_wait3A_18 = tpu.memref_slice %arg4[%mul3A_2, %dma_wait3A_17] : memref<204800x128xf32, #tpu.memory_space<hbm>> -> memref<128x128xf32, #tpu.memory_space<hbm>>
    %dma_wait3A_19 = arith.constant 0 : i32
    %dma_wait3A_20 = arith.constant 0 : i32
    %dma_wait3A_21 = tpu.memref_slice %arg6[%dma_wait3A, %dma_wait3A_19, %dma_wait3A_20] : memref<2x128x128xf32, #tpu.memory_space<vmem>> -> memref<1x128x128xf32, #tpu.memory_space<vmem>>
    %dma_wait3A_22 = tpu.memref_squeeze %dma_wait3A_21 : memref<1x128x128xf32, #tpu.memory_space<vmem>> -> memref<128x128xf32, #tpu.memory_space<vmem>>
    tpu.wait_dma2 semaphore(%dma_wait3A_16 : memref<!tpu.dma_semaphore, #tpu.memory_space<semaphore_mem>>) src(%dma_wait3A_22 : memref<128x128xf32, #tpu.memory_space<vmem>>) dst(%dma_wait3A_18 : memref<128x128xf32, #tpu.memory_space<hbm>>)
    return
  }
}

module attributes {stable_mosaic.version = 14 : i64} {
  func.func @_rot_body(%arg0: i32, %arg1: memref<1x64x1024xf32, #tpu.memory_space<vmem>>, %arg2: memref<8x64x1024xf32, #tpu.memory_space<vmem>>, %arg3: memref<8x64x1024xf32, #tpu.memory_space<vmem>>, %arg4: memref<8x128x1024xf32, #tpu.memory_space<vmem>>, %arg5: memref<8x64x1024xf32, #tpu.memory_space<vmem>>, %arg6: memref<8x64x1024xf32, #tpu.memory_space<vmem>>) attributes {dimension_semantics = [#tpu.dimension_semantics<arbitrary>], iteration_bounds = array<i64: 25>, scalar_prefetch = 0 : i64, scratch_operands = 0 : i64, tpu.core_type = #tpu.core_type<tc>, window_params = [{pipeline_mode = #tpu.pipeline_mode<synchronous>, transform_indices = @transform_0, window_bounds = array<i64: 1, 64, 1024>}, {transform_indices = @transform_1, window_bounds = array<i64: 8, 64, 1024>}, {transform_indices = @transform_2, window_bounds = array<i64: 8, 64, 1024>}, {transform_indices = @transform_3, window_bounds = array<i64: 8, 128, 1024>}, {transform_indices = @transform_4, window_bounds = array<i64: 8, 64, 1024>}, {transform_indices = @transform_5, window_bounds = array<i64: 8, 64, 1024>}]} {
    %get3A = arith.constant 0 : index
    %get3A_0 = arith.constant 0 : index
    %get3A_1 = arith.constant 0 : index
    %get3A_2 = vector.load %arg2[%get3A, %get3A_0, %get3A_1] : memref<8x64x1024xf32, #tpu.memory_space<vmem>>, vector<8x64x1024xf32>
    %get3A_3 = arith.constant 0 : index
    %get3A_4 = arith.constant 0 : index
    %get3A_5 = arith.constant 0 : index
    %get3A_6 = vector.load %arg3[%get3A_3, %get3A_4, %get3A_5] : memref<8x64x1024xf32, #tpu.memory_space<vmem>>, vector<8x64x1024xf32>
    %add3A = arith.addf %get3A_2, %get3A_6 : vector<8x64x1024xf32>
    %get3A_7 = arith.constant 0 : index
    %get3A_8 = arith.constant 0 : index
    %get3A_9 = arith.constant 0 : index
    %get3A_10 = vector.load %arg1[%get3A_7, %get3A_8, %get3A_9] : memref<1x64x1024xf32, #tpu.memory_space<vmem>>, vector<1x64x1024xf32>
    %add3A_11 = vector.broadcast %get3A_10 : vector<1x64x1024xf32> to vector<8x64x1024xf32>
    %add3A_12 = arith.addf %add3A, %add3A_11 : vector<8x64x1024xf32>
    %cos3A = math.cos %add3A_12 : vector<8x64x1024xf32>
    %sin3A = math.sin %add3A_12 : vector<8x64x1024xf32>
    %get3A_13 = arith.constant 0 : index
    %get3A_14 = arith.constant 0 : index
    %get3A_15 = arith.constant 0 : index
    %get3A_16 = vector.load %arg4[%get3A_13, %get3A_14, %get3A_15] : memref<8x128x1024xf32, #tpu.memory_space<vmem>>, vector<8x64x1024xf32>
    %get3A_17 = arith.constant 0 : index
    %get3A_18 = arith.constant 64 : index
    %get3A_19 = arith.constant 0 : index
    %get3A_20 = vector.load %arg4[%get3A_17, %get3A_18, %get3A_19] : memref<8x128x1024xf32, #tpu.memory_space<vmem>>, vector<8x64x1024xf32>
    %mul3A = arith.mulf %get3A_16, %cos3A : vector<8x64x1024xf32>
    %mul3A_21 = arith.mulf %get3A_20, %sin3A : vector<8x64x1024xf32>
    %sub3A = arith.subf %mul3A, %mul3A_21 : vector<8x64x1024xf32>
    %swap3A = arith.constant 0 : index
    %swap3A_22 = arith.constant 0 : index
    %swap3A_23 = arith.constant 0 : index
    %swap3A_24 = vector.load %arg5[%swap3A, %swap3A_22, %swap3A_23] : memref<8x64x1024xf32, #tpu.memory_space<vmem>>, vector<8x64x1024xf32>
    tpu.vector_store %arg5[%swap3A, %swap3A_22, %swap3A_23], %sub3A {strides = array<i32>} : memref<8x64x1024xf32, #tpu.memory_space<vmem>>, vector<8x64x1024xf32>,
    %mul3A_25 = arith.mulf %get3A_16, %sin3A : vector<8x64x1024xf32>
    %mul3A_26 = arith.mulf %get3A_20, %cos3A : vector<8x64x1024xf32>
    %add3A_27 = arith.addf %mul3A_25, %mul3A_26 : vector<8x64x1024xf32>
    %swap3A_28 = arith.constant 0 : index
    %swap3A_29 = arith.constant 0 : index
    %swap3A_30 = arith.constant 0 : index
    %swap3A_31 = vector.load %arg6[%swap3A_28, %swap3A_29, %swap3A_30] : memref<8x64x1024xf32, #tpu.memory_space<vmem>>, vector<8x64x1024xf32>
    tpu.vector_store %arg6[%swap3A_28, %swap3A_29, %swap3A_30], %add3A_27 {strides = array<i32>} : memref<8x64x1024xf32, #tpu.memory_space<vmem>>, vector<8x64x1024xf32>,
    return
  }
  func.func @transform_0(%arg0: i32) -> (i32, i32, i32) {
    %c0_i32 = arith.constant 0 : i32
    %c0_i32_0 = arith.constant 0 : i32
    %c0_i32_1 = arith.constant 0 : i32
    %c0_i32_2 = arith.constant 0 : i32
    return %c0_i32, %c0_i32_0, %c0_i32_1 : i32, i32, i32
  }
  func.func @transform_1(%arg0: i32) -> (i32, i32, i32) {
    %c0_i32 = arith.constant 0 : i32
    %c0_i32_0 = arith.constant 0 : i32
    %c0_i32_1 = arith.constant 0 : i32
    return %arg0, %c0_i32, %c0_i32_0 : i32, i32, i32
  }
  func.func @transform_2(%arg0: i32) -> (i32, i32, i32) {
    %c0_i32 = arith.constant 0 : i32
    %c0_i32_0 = arith.constant 0 : i32
    %c0_i32_1 = arith.constant 0 : i32
    return %arg0, %c0_i32, %c0_i32_0 : i32, i32, i32
  }
  func.func @transform_3(%arg0: i32) -> (i32, i32, i32) {
    %c0_i32 = arith.constant 0 : i32
    %c0_i32_0 = arith.constant 0 : i32
    %c0_i32_1 = arith.constant 0 : i32
    return %arg0, %c0_i32, %c0_i32_0 : i32, i32, i32
  }
  func.func @transform_4(%arg0: i32) -> (i32, i32, i32) {
    %c0_i32 = arith.constant 0 : i32
    %c0_i32_0 = arith.constant 0 : i32
    %c0_i32_1 = arith.constant 0 : i32
    return %arg0, %c0_i32, %c0_i32_0 : i32, i32, i32
  }
  func.func @transform_5(%arg0: i32) -> (i32, i32, i32) {
    %c0_i32 = arith.constant 0 : i32
    %c0_i32_0 = arith.constant 0 : i32
    %c0_i32_1 = arith.constant 0 : i32
    return %arg0, %c0_i32, %c0_i32_0 : i32, i32, i32
  }
}

</mosaic_0001>

<sc_bundles>
// kernel: kernel.4.cloned.1.call-start
scs
__scs_entry_jumppad:
0x0: {  	(pc) =	sbr.rel $0x88, $3  }
0x1: {  	(tag) =	ssettag $0x0;
	lr =	simm.s32 $0x1  }
0x2: {  	[smem:$0x3F9B] =	sst lr;
	_ =	strace $0xD0000000  }
0x3: {  	_ = 	snop  }
0x4: {  	_ = 	snop  }
0x5: {  	_ = 	snop  }
0x6: {  	_ = 	snop  }
0x7: {  	_ = 	snop  }
__scs_overlays_trampoline_lowered:
0x8: {  	[smem:$0x3FAA] =	sst s0  }
0x9: {  	[smem:$0x3FAB] =	sst s1  }
0xa: {  	[smem:$0x3FAC] =	sst s2  }
0xb: {  	[smem:$0x3FAD] =	sst s3  }
0xc: {  	[smem:$0x3FAE] =	sst s4  }
0xd: {  	[smem:$0x3FAF] =	sst s5  }
0xe: {  	[smem:$0x3FB0] =	sst s6  }
0xf: {  	[smem:$0x3FB1] =	sst s7  }
0x10: {  	[smem:$0x3FB2] =	sst s8  }
0x11: {  	[smem:$0x3FB3] =	sst s9;
	s0 =	simm.s32 @!p0 $0x0  }
0x12: {  	s1 =	sld [smem:$0x3F99];
	s0 =	simm.s32 @p0 $0x1  }
0x13: {  	[smem:$0x3FB4] =	sst s0;
	s0 =	simm.s32 @!p1 $0x0  }
0x14: {  	s2 =	sld [smem:$0x3F98];
	s0 =	simm.s32 @p1 $0x1  }
0x15: {  	[smem:$0x3FB5] =	sst s0;
	s0 =	simm.s32 @!p2 $0x0  }
0x16: {  	s3 =	sld [smem:$0x3FDB];
	s0 =	simm.s32 @p2 $0x1  }
0x17: {  	s4 =	simm.s32 $0x1BF5;
	[smem:$0x3FB7] =	sst s0  }
0x18: {  	s0 =	sld [smem:$0x3F9A];
	_ =	swait.ge [sflag:s4], $0x0  }
0x19: {  	s7 =	sld [smem:$0x3F9B]  }
0x1a: {  	s8 =	sadd.s32 $0xFFFFE003, lr  }
0x1b: {  	s9 =	sadd.s32 $0xFFFFFEF7, lr;
	s5 =	simm.s32 $0xFFFFFFFF;
	p2 =	slt.u32 s8, $0xFFFFF086  }
0x1c: {  	p1 =	slt.u32 s9, $0xF7A;
	s5 =	simm.s32 @!p2 $0x0  }
0x1d: {  	s5 =	simm.s32 @p1 $0x1;
	p0 =	seq.s32 s7, s2  }
0x1e: {  	s7 =	smul.u32 @!p0 $0xF7A, s2;
	p2 =	seq.s32 @!p0 s5, $0x0  }
0x1f: {  	s9 =	smul.u32 $0xF7A, s1;
	s8 =	simm.s32 @!p0 $0x1BF5;
	p2 =	por !p2, p0  }
0x20: {  	[sflag:s8] =	ssyncset.s32 @!p0 $0xFFFFF086;
	s6 =	sadd.s32 @!p0 s3, s7;
	s7 =	simm.s32 @!p0 $0x108  }
0x21: {  	s3 =	sadd.s32 s3, s9;
	s6 =	sadd.s32 @!p0 $0x88, s6;
	s7 =	simm.s32 @p2 $0x1082  }
0x22: {  	[simem:s7], [sflag:s8] =	dma.local @!p0 [hbm:s6], $0xF7A  }
0x23: {  	s9 =	sor.u32 $0xD0000000, s2;
	s6 =	simm.s32 $0x108;
	_ =	swait.ge @!p0 [sflag:s8], $0x0  }
0x24: {  	s3 =	sadd.s32 $0x88, s3;
	s6 =	simm.s32 @!p1 $0x1082;
	[sflag:s4] =	ssyncset.s32 $0xFFFFF086  }
0x25: {  	[simem:s6], [sflag:s4] =	dma.local [hbm:s3], $0xF7A  }
0x26: {  	[smem:$0x3F9B] =	sst s1;
	(tag) =	ssettag s2;
	_ =	strace s9  }
0x27: {  	s1 =	sld [smem:$0x3FAB]  }
0x28: {  	s2 =	sld [smem:$0x3FAC]  }
0x29: {  	s4 =	sld [smem:$0x3FAE]  }
0x2a: {  	p0 =	seq.s32 s5, $0x0;
	s5 =	sld [smem:$0x3FAF]  }
0x2b: {  	s6 =	sld [smem:$0x3FB0]  }
0x2c: {  	s7 =	sld [smem:$0x3FB1]  }
0x2d: {  	s3 =	simm.s32 $0x108;
	s8 =	sld [smem:$0x3FB2]  }
0x2e: {  	s3 =	simm.s32 @!p0 $0x1082;
	s9 =	sld [smem:$0x3FB3]  }
0x2f: {  	lr =	sadd.s32 s0, s3;
	s0 =	sld [smem:$0x3FAA]  }
0x30: {  	s3 =	sld [smem:$0x3FAD]  }
0x31: {  	[smem:$0x3FB6] =	sst s10  }
0x32: {  	s10 =	sld [smem:$0x3FB4];
	_ =	sdelay $0x3  }
0x33: {  	p0 =	seq.s32 s10, $0x1;
	s10 =	sld [smem:$0x3FB6];
	_ =	sdelay $0x3  }
0x34: {  	[smem:$0x3FB6] =	sst s10  }
0x35: {  	s10 =	sld [smem:$0x3FB5];
	_ =	sdelay $0x3  }
0x36: {  	p1 =	seq.s32 s10, $0x1;
	s10 =	sld [smem:$0x3FB6];
	_ =	sdelay $0x3  }
0x37: {  	[smem:$0x3FB6] =	sst s10  }
0x38: {  	s10 =	sld [smem:$0x3FB7]  }
0x39: {  	_ = 	snop;
	(pc) =	sbr.ind lr, $3  }
0x3a: {  	_ = 	snop  }
0x3b: {  	_ = 	snop  }
0x3c: {  	p2 =	seq.s32 s10, $0x1;
	s10 =	sld [smem:$0x3FB6]  }
0x3d: {  	_ =	shalt  }
0x3e: {  	_ =	shalt  }
0x3f: {  	_ =	shalt  }
0x40: {  	_ =	shalt  }
0x41: {  	_ =	shalt  }
0x42: {  	_ =	shalt  }
0x43: {  	_ =	shalt  }
0x44: {  	_ =	shalt  }
0x45: {  	_ =	shalt  }
0x46: {  	_ =	shalt  }
0x47: {  	_ =	shalt  }
0x48: {  	_ =	shalt  }
0x49: {  	_ =	shalt  }
0x4a: {  	_ =	shalt  }
0x4b: {  	_ =	shalt  }
0x4c: {  	_ =	shalt  }
0x4d: {  	_ =	shalt  }
0x4e: {  	_ =	shalt  }
0x4f: {  	_ =	shalt  }
0x50: {  	_ =	shalt  }
0x51: {  	_ =	shalt  }
0x52: {  	_ =	shalt  }
0x53: {  	_ =	shalt  }
0x54: {  	_ =	shalt  }
0x55: {  	_ =	shalt  }
0x56: {  	_ =	shalt  }
0x57: {  	_ =	shalt  }
0x58: {  	_ =	shalt  }
0x59: {  	_ =	shalt  }
0x5a: {  	_ =	shalt  }
0x5b: {  	_ =	shalt  }
0x5c: {  	_ =	shalt  }
0x5d: {  	_ =	shalt  }
0x5e: {  	_ =	shalt  }
0x5f: {  	_ =	shalt  }
0x60: {  	_ =	shalt  }
0x61: {  	_ =	shalt  }
0x62: {  	_ =	shalt  }
0x63: {  	_ =	shalt  }
0x64: {  	_ =	shalt  }
0x65: {  	_ =	shalt  }
0x66: {  	_ =	shalt  }
0x67: {  	_ =	shalt  }
0x68: {  	_ =	shalt  }
0x69: {  	_ =	shalt  }
0x6a: {  	_ =	shalt  }
0x6b: {  	_ =	shalt  }
0x6c: {  	_ =	shalt  }
0x6d: {  	_ =	shalt  }
0x6e: {  	_ =	shalt  }
0x6f: {  	_ =	shalt  }
0x70: {  	_ =	shalt  }
0x71: {  	_ =	shalt  }
0x72: {  	_ =	shalt  }
0x73: {  	_ =	shalt  }
0x74: {  	_ =	shalt  }
0x75: {  	_ =	shalt  }
0x76: {  	_ =	shalt  }
0x77: {  	_ =	shalt  }
0x78: {  	_ =	shalt  }
0x79: {  	_ =	shalt  }
0x7a: {  	_ =	shalt  }
0x7b: {  	_ =	shalt  }
0x7c: {  	_ =	shalt  }
0x7d: {  	_ =	shalt  }
0x7e: {  	_ =	shalt  }
0x7f: {  	_ =	shalt  }
0x80: {  	_ =	shalt  }
0x81: {  	_ =	shalt  }
0x82: {  	_ =	shalt  }
0x83: {  	_ =	shalt  }
0x84: {  	_ =	shalt  }
0x85: {  	_ =	shalt  }
0x86: {  	_ =	shalt  }
0x87: {  	_ =	shalt  }
.Lfunc_end0:
.L_simem_size_0:
called_computation.1_lowered:
.L_overlay_start_0:
0x88: {  	s2 =	sld [smem:$0x3FD9]  }
0x89: {  	s3 =	sld [smem:$0x3FFE];
	_ =	sdelay $0x1  }
0x8a: {  	s1 =	srdreg.scid  }
0x8b: {  	s0 =	sand.u32 $0x1, s1  }
0x8c: {  	s16 =	sshll.u32 s0, $0xA;
	s2 =	sadd.s32 s3, s2  }
0x8d: {  	s2 =	sadd.s32 s2, s16  }
0x8e: {  	[smem:$0x3FC2] =	sst s2  }
0x8f: {  	_ = 	snop  }
0x90: {  	(tm) =	ssettm $0x1  }
0x91: {  	s17 =	sld [smem:$0x3FFB];
	_ =	sdelay $0x3  }
0x92: {  	_ =	strace s17  }
0x93: {  	s2 =	sld [smem:$0x3FFC];
	_ =	sdelay $0x3  }
0x94: {  	_ =	strace s2  }
0x95: {  	s2 =	sld [smem:$0x3FFD];
	_ =	sdelay $0x3  }
0x96: {  	_ =	strace s2  }
0x97: {  	_ =	strace $0x8FFFFFFF  }
0x98: {  	s18 =	sld [smem:$0x3FDB];
	_ =	sdelay $0x1  }
0x99: {  	s19 =	simm.s32 $_scs_section_size  }
0x9a: {  	s4 =	simm.s32 $_size__tile_overlayer_lowered;
	s5 =	simm.s32 $_tile_overlayer_lowered  }
0x9b: {  	s22 =	simm.s32 $0x1BFF;
	s21 =	sshll.u32 s5, $0x1;
	s2 =	sadd.s32 s19, s18  }
0x9c: {  	s6 =	simm.s32 $0x0;
	s20 =	sshll.u32 s4, $0x1;
	s4 =	sadd.s32 s21, s2  }
0x9d: {  	[timem:s6], [sflag:s22] =	dma.local [hbm:s4], s20  }
0x9e: {  	_ =	swait.ge [sflag:s22], s20  }
0x9f: {  	s3 =	ssub.s32 $0x0, s20;
	[sflag:s22] =	ssyncset.done $0x0  }
0xa0: {  	[sflag:s22] =	ssyncadd.s32 s3;
	_ =	sdelay $0x1  }
0xa1: {  	s23 =	simm.s32 $0x1B8B  }
0xa2: {  	_ =	swait.ge [sflag:s23], $0x1  }
0xa3: {  	[sflag:s23] =	ssyncset.done $0x0  }
0xa4: {  	s25 =	simm.s32 $0x1B8E;
	s24 =	sld [smem:$0x3FFE];
	[sflag:s23] =	ssyncadd.s32 $0xFFFFFFFF  }
0xa5: {  	s26 =	simm.s32 $execute0_lowered;
	[smem:$0x3FD2] =	sst s25  }
0xa6: {  	s4 =	sshll.u32 s26, $0x1;
	_ =	strace $0x80000046;
	[dreg:$0x1] =	wrdreg $0xFFFFFFFF  }
0xa7: {  	s28 =	simm.s32 $_size_execute0_lowered;
	s2 =	sadd.s32 s2, s4;
	[dreg:$0x0] =	wrdreg $0x0  }
0xa8: {  	s4 =	sshll.u32 s28, $0x1;
	[dreg:$0x2] =	wrdreg s2  }
0xa9: {  	[dreg:$0x3] =	wrdreg s4  }
0xaa: {  	[dreg:$0x4] =	wrdreg $0xC0  }
0xab: {  	_ =	task [dreg:s6], $0x5FFFF  }
0xac: {  	[dreg:$0x1] =	wrdreg $0xFFFFFFFF  }
0xad: {  	[dreg:$0x0] =	wrdreg $0x60  }
0xae: {  	[dreg:$0x2] =	wrdreg s24  }
0xaf: {  	[dreg:$0x3] =	wrdreg $0x9  }
0xb0: {  	_ =	task.clear_ibuf [dreg:s6], $0x4FFFF;
	_ =	strace $0x90000046  }
0xb1: {  	s29 =	simm.s32 $0x9;
	_ =	strace $0x80000048  }
0xb2: {  	_ =	swait.ge [sflag:s29], $0x1  }
0xb3: {  	[sflag:s29] =	ssyncadd.s32 $0xFFFFFFFF  }
0xb4: {  	_ =	strace $0x90000048  }
0xb5: {  	_ =	sfence  }
0xb6: {  	s30 =	sld [smem:$0x0];
	_ =	sdelay $0x2  }
0xb7: {  	s31 =	sshll.u32 s1, $0xD;
	s1 =	sshrl.u32 s1, $0x2  }
0xb8: {  	s3 =	sand.u32 $0x4000, s31;
	s1 =	sadd.s32 s1, s30  }
0xb9: {  	s0 =	sor.u32 s3, s0;
	s1 =	sshll.u32 s1, $0x11  }
0xba: {  	s0 =	sor.u32 s1, s0  }
0xbb: {  	s0 =	sadd.s32 $0x8F2B, s0  }
0xbc: {  	[sflag:s0] =	ssyncadd.remote.s32 $0x1  }
0xbd: {  	_ =	sfence.sel $0xFFFF  }
0xbe: {  	[dreg:$0x0] =	wrdreg $0xFFFFFFFF;
	(pc) =	sbr.abs _section_cstart, $3  }
0xbf: {  	[dreg:$0x1] =	wrdreg $0xFFFFFFFF  }
0xc0: {  	_ =	task.clear_ibuf [dreg:s6], $0x2FFFF;
	_ =	strace $0x9FFFFFFF  }
0xc1: {  	(tm) =	ssettm $0x7FFFFFFF  }
tec
execute0_lowered:
.L_overlay_start_1:
0x0: {  	(tag) =	ssettag $0x1  }
0x1: {  	s4 =	rddreg [dreg:$0x0]  }
0x2: {  	s0 =	rddreg [dreg:$0x1]  }
0x3: {  	s3 =	srdreg.scid;
	s1 =	stileid.u32;
	s2 =	simm.s32 $0x0  }
0x4: {  	s12 =	simm.s32 $0x5C00;
	s13 =	simm.s32 $0x1;
	s14 =	simm.s32 $0x3  }
0x5: {  	s15 =	simm.s32 $0x4;
	s16 =	simm.s32 $0x0;
	s5 =	sand.u32 $0x1, s3  }
0x6: {  	s29 =	sshll.u32 s1, $0x1;
	[smem:$0x7FF] =	sst s2;
	s3 =	sadd.s32 $0x190200, s4  }
0x7: {  	s10 =	smul.u32 $0x32000, s1;
	s11 =	sadd.s32 $0x316C00, s4;
	s6 =	sor.u32 s5, s29  }
0x8: {  	_ =	strace $0x80000047;
	s8 =	ssub.s32 $0x2, s5;
	s30 =	smul.u32 $0x19000, s5  }
0x9: {  	s7 =	smul.u32 $0x380, s6;
	s9 =	sshrl.u32 s8, $0x1;
	s10 =	sadd.s32 s10, s11  }
0xa: {  	s6 =	smul.u32 $0x19000, s6;
	s8 =	ssub.s32 s8, s9;
	s31 =	sadd.s32 s30, s10  }
0xb: {  	s9 =	simm.s32 $0x5;
	s10 =	simm.s32 $0x80;
	s7 =	sadd.s32 s7, s4  }
0xc: {  	s5 =	sadd.s32 s11, s6;
	s6 =	smax.u32 s8, $0x1;
	s8 =	sadd.s32 $0x800, s31  }
0xd: {  	s11 =	simm.s32 $0x1C00;
	s4 =	sadd.s32 $0x189200, s7;
	s7 =	sadd.s32 $0x18800, s5  }
.LBB2_1:
0xe: {  	[tilespmem:s2], [sflag:$0x5] =	stream.linear.gather [hbm4b:s4+s2], $0x1900, $0x38;
	[tilespmem:$0x9C00] =	vst v63  }
0xf: {  	_ =	swait.ge [sflag:s9], $0x1900  }
0x10: {  	[sflag:s9] =	ssyncset.done $0x0  }
0x11: {  	[sflag:s9] =	ssyncadd.s32 $0xFFFFE700  }
0x12: {  	[tilespmem:s11], [sflag:$0x1] =	stream.indirect.gather [hbm4b:s3+s10], $0x80, s2, s10, $0xb8;
	[tilespmem:$0x9C00] =	vst v63  }
0x13: {  	_ = 	snop  }
0x14: {  	[tilespmem:s12], [sflag:$0x2] =	stream.indirect.gather [hbm4b:s3+s10], $0x80, s10, s10, $0xb8;
	[tilespmem:$0x9C00] =	vst v63  }
0x15: {  	s17 =	simm.s32 $0x2;
	_ =	swait.ge [sflag:s13], $0x4000  }
0x16: {  	s17 =	sand.u32 $0x1, s17;
	[sflag:s13] =	ssyncset.done $0x0  }
0x17: {  	s21 =	sand.u32 $0x1, s14;
	s18 =	sadd.s32 $0x3, s17;
	[sflag:s13] =	ssyncadd.s32 $0xFFFFC000  }
0x18: {  	[hbm4b:s5+s2] =	stream.linear.scatter [tilespmem:s11], [sflag:$0x3], $0x4000, $0x38;
	[tilespmem:$0x9C00] =	vst v63  }
0x19: {  	s19 =	simm.s32 $0x100;
	s31 =	sadd.s32 $0x1, s21;
	_ =	swait.ge [sflag:s18], $0x4000  }
0x1a: {  	s22 =	sshll.u32 s21, $0xE;
	s20 =	sshll.u32 s17, $0xE;
	[sflag:s18] =	ssyncset.done $0x0  }
0x1b: {  	s17 =	sadd.s32 $0x1, s17;
	s30 =	sor.u32 $0x1C00, s20;
	[sflag:s18] =	ssyncadd.s32 $0xFFFFC000  }
0x1c: {  	[tilespmem:s30], [sflag:s17] =	stream.indirect.gather [hbm4b:s3+s10], $0x80, s19, s10, $0xb8;
	[tilespmem:$0x9C00] =	vst v63  }
0x1d: {  	s24 =	sadd.s32 $0x3, s21;
	s25 =	sor.u32 $0x1C00, s22;
	_ =	swait.ge [sflag:s31], $0x4000  }
0x1e: {  	s20 =	smov.u32 s8;
	s18 =	simm.s32 $0x180;
	[sflag:s31] =	ssyncset.done $0x0  }
0x1f: {  	s17 =	simm.s32 $0x4;
	s19 =	sadd.s32 $0x800, s8;
	[sflag:s31] =	ssyncadd.s32 $0xFFFFC000  }
.LBB2_2:
0x20: {  	[hbm4b:s20+s2] =	stream.linear.scatter [tilespmem:s25], [sflag:s24], $0x4000, $0x38;
	[tilespmem:$0x9C00] =	vst v63  }
0x21: {  	s22 =	smov.u32 s17;
	s20 =	smov.u32 s19  }
0x22: {  	p0 =	sne.s32 s17, $0x32;
	s17 =	sadd.s32 $0x1, s17;
	s21 =	sadd.s32 $0xFFFFFFFF, s22  }
0x23: {  	s23 =	sand.u32 $0x1, s21  }
0x24: {  	s21 =	sadd.s32 $0x3, s23;
	s24 =	sshll.u32 s23, $0xE  }
0x25: {  	s25 =	sand.u32 $0x1, s22;
	_ =	swait.ge [sflag:s21], $0x4000  }
0x26: {  	s22 =	sadd.s32 $0x1, s23;
	s23 =	sor.u32 $0x1C00, s24;
	[sflag:s21] =	ssyncset.done $0x0  }
.Ltmp0:
0x27: {  	s24 =	sadd.s32 $0x1, s25;
	[sflag:s21] =	ssyncadd.s32 $0xFFFFC000;
	(pc) =	sbr.rel @p0 .LBB2_2-.Ltmp0, $4  }
0x28: {  	[tilespmem:s23], [sflag:s22] =	stream.indirect.gather [hbm4b:s3+s10], $0x80, s18, s10, $0xb8;
	[tilespmem:$0x9C00] =	vst v63  }
0x29: {  	s26 =	sshll.u32 s25, $0xE;
	_ =	swait.ge [sflag:s24], $0x4000  }
0x2a: {  	s19 =	sadd.s32 $0x800, s19;
	s18 =	sadd.s32 $0x80, s18;
	[sflag:s24] =	ssyncset.done $0x0  }
0x2b: {  	[sflag:s24] =	ssyncadd.s32 $0xFFFFC000;
	s24 =	sadd.s32 $0x3, s25;
	s25 =	sor.u32 $0x1C00, s26  }
0x2c: {  	[hbm4b:s20+s2] =	stream.linear.scatter [tilespmem:s25], [sflag:s24], $0x4000, $0x38;
	[tilespmem:$0x9C00] =	vst v63  }
0x2d: {  	_ =	swait.ge [sflag:s14], $0x4000  }
0x2e: {  	[sflag:s14] =	ssyncset.done $0x0  }
0x2f: {  	[sflag:s14] =	ssyncadd.s32 $0xFFFFC000  }
0x30: {  	s16 =	sadd.s32 $0x1, s16;
	_ =	swait.ge [sflag:s22], $0x4000  }
0x31: {  	p0 =	sne.s32 s16, s6;
	[sflag:s22] =	ssyncset.done $0x0  }
.Ltmp1:
0x32: {  	[sflag:s22] =	ssyncadd.s32 $0xFFFFC000;
	(pc) =	sbr.rel @p0 .LBB2_1-.Ltmp1, $4  }
0x33: {  	[hbm4b:s7+s2] =	stream.linear.scatter [tilespmem:s23], [sflag:s21], $0x4000, $0x38;
	[tilespmem:$0x9C00] =	vst v63  }
0x34: {  	_ =	swait.ge [sflag:s15], $0x4000  }
0x35: {  	[sflag:s15] =	ssyncset.done $0x0  }
0x36: {  	[sflag:s15] =	ssyncadd.s32 $0xFFFFC000  }
0x37: {  	_ =	sfence.sel $0x180000  }
0x38: {  	[bflag:$0x0] =	sbarrier.arrive $0xFFFF  }
0x39: {  	p0 =	sne.s32 s1, $0x0;
	_ =	strace $0x90000047  }
0x3a: {  	s0 =	sadd.s32 @!p0 $0x100000, s0;
	[bflag:$0x2] =	sbarrier.arrive $0xFFFF  }
0x3b: {  	[sflag:s0] =	ssyncadd.tile.s32 @!p0 $0x1;
	_ =	shalt  }
.Lfunc_end2:
_tile_overlayer_lowered:
.L_overlay_start_2:
0x3c: {  	(tag) =	ssettag $0x2  }
0x3d: {  	s0 =	rddreg [dreg:$0x0];
	s2 =	stileid.u32  }
0x3e: {  	s1 =	rddreg [dreg:$0x1];
	p0 =	sne.s32 s2, $0x0  }
0x3f: {  	s3 =	rddreg [dreg:$0x2];
	[bflag:$0x3] =	sbarrier.arrive $0xFFFF;
	s2 =	simm.s32 @!p0 $0x1C05  }
0x40: {  	[timem:s3], [sflag:s2] =	dma.local @!p0 [hbm:s0], s1  }
0x41: {  	s0 =	simm.s32 @!p0 $0x5  }
0x42: {  	_ =	swait.ge @!p0 [sflag:s0], s1  }
0x43: {  	s1 =	ssub.s32 @!p0 $0x0, s1;
	[sflag:s0] =	ssyncset.done @!p0 $0x0  }
0x44: {  	[sflag:s0] =	ssyncadd.s32 @!p0 s1  }
0x45: {  	[bflag:$0x3] =	sbarrier.arrive $0xFFFF  }
0x46: {  	_ =	shalt  }

// kernel: sparse-core-data-format-call.cloned.1.call-start
scs
called_computation_lowered:
.L_overlay_start_0:
0x0: {  	s2 =	sld [smem:$0x3FD9]  }
0x1: {  	s3 =	sld [smem:$0x3FFE];
	_ =	sdelay $0x1  }
0x2: {  	s1 =	srdreg.scid  }
0x3: {  	s0 =	sand.u32 $0x1, s1  }
0x4: {  	s18 =	sshll.u32 s0, $0xA;
	s2 =	sadd.s32 s3, s2  }
0x5: {  	s2 =	sadd.s32 s2, s18  }
0x6: {  	[smem:$0x3FC2] =	sst s2  }
0x7: {  	_ = 	snop  }
0x8: {  	s2 =	sld [smem:$0x3FD0];
	(tm) =	ssettm $0x1  }
0x9: {  	s19 =	sld [smem:$0x3FFB];
	_ =	sdelay $0x3  }
0xa: {  	_ =	strace s19  }
0xb: {  	s3 =	sld [smem:$0x3FFC];
	_ =	sdelay $0x3  }
0xc: {  	_ =	strace s3  }
0xd: {  	s3 =	sld [smem:$0x3FFD];
	_ =	sdelay $0x3  }
0xe: {  	_ =	strace s3  }
0xf: {  	_ =	strace $0x8FFFFFFF  }
0x10: {  	s20 =	sld [smem:$0x3FDB];
	_ =	sdelay $0x1  }
0x11: {  	s4 =	simm.s32 $_scs_section_size  }
0x12: {  	s5 =	simm.s32 $_size__tile_overlayer_lowered;
	s6 =	simm.s32 $_tile_overlayer_lowered  }
0x13: {  	s23 =	simm.s32 $0x1BFF;
	s22 =	sshll.u32 s6, $0x1;
	s3 =	sadd.s32 s4, s20  }
0x14: {  	s7 =	simm.s32 $0x0;
	s21 =	sshll.u32 s5, $0x1;
	s5 =	sadd.s32 s22, s3  }
0x15: {  	[timem:s7], [sflag:s23] =	dma.local [hbm:s5], s21  }
0x16: {  	_ =	swait.ge [sflag:s23], s21  }
0x17: {  	s4 =	ssub.s32 $0x0, s21;
	[sflag:s23] =	ssyncset.done $0x0  }
0x18: {  	[sflag:s23] =	ssyncadd.s32 s4;
	_ =	sdelay $0x1  }
0x19: {  	s24 =	simm.s32 $0x1B8B  }
0x1a: {  	_ =	swait.ge [sflag:s24], $0x1  }
0x1b: {  	[sflag:s24] =	ssyncset.done $0x0  }
0x1c: {  	s26 =	simm.s32 $0x1B8E;
	s25 =	sld [smem:$0x3FFE];
	[sflag:s24] =	ssyncadd.s32 $0xFFFFFFFF  }
0x1d: {  	s27 =	simm.s32 $execute0_lowered;
	[smem:$0x3FD2] =	sst s26  }
0x1e: {  	s5 =	sshll.u32 s27, $0x1;
	_ =	strace $0x80000049;
	[dreg:$0x1] =	wrdreg $0xFFFFFFFF  }
0x1f: {  	s28 =	simm.s32 $_size_execute0_lowered;
	s3 =	sadd.s32 s3, s5;
	[dreg:$0x0] =	wrdreg $0x0  }
0x20: {  	s5 =	sshll.u32 s28, $0x1;
	[dreg:$0x2] =	wrdreg s3  }
0x21: {  	[dreg:$0x3] =	wrdreg s5  }
0x22: {  	[dreg:$0x4] =	wrdreg $0xC0  }
0x23: {  	_ =	task [dreg:s7], $0x5FFFF  }
0x24: {  	[dreg:$0x1] =	wrdreg $0xFFFFFFFF  }
0x25: {  	[dreg:$0x0] =	wrdreg $0x60  }
0x26: {  	[dreg:$0x2] =	wrdreg s25  }
0x27: {  	[dreg:$0x3] =	wrdreg s2  }
0x28: {  	[dreg:$0x4] =	wrdreg $0x9  }
0x29: {  	_ =	task.clear_ibuf [dreg:s7], $0x5FFFF;
	_ =	strace $0x90000049  }
0x2a: {  	s29 =	simm.s32 $0x9;
	_ =	strace $0x8000004B  }
0x2b: {  	_ =	swait.ge [sflag:s29], $0x1  }
0x2c: {  	[sflag:s29] =	ssyncadd.s32 $0xFFFFFFFF  }
0x2d: {  	_ =	strace $0x9000004B  }
0x2e: {  	_ =	sfence  }
0x2f: {  	s30 =	sld [smem:$0x0];
	_ =	sdelay $0x2  }
0x30: {  	s31 =	sshll.u32 s1, $0xD;
	s1 =	sshrl.u32 s1, $0x2  }
0x31: {  	s3 =	sand.u32 $0x4000, s31;
	s1 =	sadd.s32 s1, s30  }
0x32: {  	s0 =	sor.u32 s3, s0;
	s1 =	sshll.u32 s1, $0x11  }
0x33: {  	s0 =	sor.u32 s1, s0  }
0x34: {  	s0 =	sadd.s32 $0x8F2B, s0  }
0x35: {  	[sflag:s0] =	ssyncadd.remote.s32 $0x1  }
0x36: {  	_ =	sfence.sel $0xFFFF  }
0x37: {  	[dreg:$0x0] =	wrdreg $0xFFFFFFFF;
	(pc) =	sbr.abs _section_cstart, $3  }
0x38: {  	[dreg:$0x1] =	wrdreg $0xFFFFFFFF  }
0x39: {  	_ =	task.clear_ibuf [dreg:s7], $0x2FFFF;
	_ =	strace $0x9FFFFFFF  }
0x3a: {  	(tm) =	ssettm $0x7FFFFFFF  }
0x3b: {  	_ =	shalt  }
tec
execute0_lowered:
.L_overlay_start_1:
0x0: {  	(tag) =	ssettag $0x1  }
0x1: {  	s0 =	stileid.u32;
	s6 =	rddreg [dreg:$0x0]  }
0x2: {  	s2 =	rddreg [dreg:$0x1];
	s5 =	srdreg.scid  }
0x3: {  	s31 =	simm.s32 $0x2;
	s13 =	simm.s32 $0x0;
	s1 =	sshll.u32 s0, $0x7  }
0x4: {  	s14 =	simm.s32 $0x0;
	s12 =	simm.s32 $0x0;
	s3 =	sand.u32 $0x380, s1  }
0x5: {  	s5 =	sshll.u32 s5, $0x4;
	s6 =	sadd.s32 $0x316C00, s6;
	s4 =	ssub.s32 $0x400, s3  }
0x6: {  	s1 =	rddreg [dreg:$0x2];
	_ =	strace $0x8000004A;
	s7 =	sand.u32 $0x380, s4  }
0x7: {  	s5 =	sand.u32 $0x10, s5;
	p0 =	sne.s32 s7, $0x0;
	s7 =	simm.s32 $0x1  }
.Ltmp0:
0x8: {  	s8 =	sshrl.u32 s4, $0xA;
	s7 =	simm.s32 @!p0 $0x0;
	(pc) =	sbr.rel .LBB1_1-.Ltmp0, $4  }
0x9: {  	s9 =	sor.u32 s0, s5;
	s4 =	simm.s32 $0x1;
	s30 =	sadd.s32 s7, s8  }
0xa: {  	s11 =	smov.u32 s3;
	[sflag:s4] =	ssyncpa.u1 $0x0;
	s5 =	smul.u32 $0x32, s30  }
0xb: {  	[sflag:s31] =	ssyncpa.u1 $0x0;
	p0 =	por $0x0, $0x0;
	s7 =	sshrl.u32 s9, $0x3  }
0xc: {  	s9 =	simm.s32 $0x2000;
	s10 =	smov.u32 s7;
	s8 =	sor.u32 $0x1, s5  }
.LBB1_4:
0xd: {  	v5 =	vld [tilespmem:s18+$0xFFFFFFD0];
	[tilespmem:s17+$0x2040 ss:$0x81] =	vst.msk $0xffff, v1  }
0xe: {  	v58 =	vld [tilespmem:s18+$0xFFFFFFE0];
	[tilespmem:s17+$0x2850 ss:$0x81] =	vst.msk $0xffff, v2  }
0xf: {  	s19 =	sshra.s32 s19, $0x2;
	v59 =	vld [tilespmem:s18+$0xFFFFFFF0];
	[tilespmem:s17+$0x3060 ss:$0x81] =	vst.msk $0xffff, v3  }
0x10: {  	v60 =	vld [tilespmem:s18+$0x0];
	[tilespmem:s17+$0x0 ss:$0x81] =	vst.msk $0xffff, v0;
	s16 =	sadd.s32 s19, s16  }
0x11: {  	v61 =	vld [tilespmem:s18+$0x10];
	[tilespmem:s16+$0x3870 ss:$0x81] =	vst.msk $0xffff, v4  }
0x12: {  	v62 =	vld [tilespmem:s18+$0x20];
	[tilespmem:s16+$0x810 ss:$0x81] =	vst.msk $0xffff, v5  }
0x13: {  	v63 =	vld [tilespmem:s18+$0xFFFFFFC0];
	[tilespmem:s16+$0x1020 ss:$0x81] =	vst.msk $0xffff, v58  }
0x14: {  	[tilespmem:s16+$0x1830 ss:$0x81] =	vst.msk $0xffff, v59  }
0x15: {  	s29 =	sand.u32 $0x3F80, s14;
	s13 =	sshll.u32 s13, $0xE;
	[tilespmem:s16+$0x2040 ss:$0x81] =	vst.msk $0xffff, v60  }
0x16: {  	s30 =	sshrl.u32 s14, $0x3;
	s31 =	sand.u32 $0x7, s14;
	s17 =	sadd.s32 s2, s29;
	[tilespmem:s16+$0x2850 ss:$0x81] =	vst.msk $0xffff, v61  }
0x17: {  	s18 =	sand.u32 $0xF, s30;
	s14 =	sshll.u32 s31, $0x12;
	s13 =	sadd.s32 s13, s17;
	[tilespmem:s16+$0x3060 ss:$0x81] =	vst.msk $0xffff, v62  }
0x18: {  	s14 =	sor.u32 $0x400, s14;
	s13 =	sadd.s32 s18, s13;
	[tilespmem:s16+$0x0 ss:$0x81] =	vst.msk $0xffff, v63  }
0x19: {  	[hbm4b:s13+s14] =	stream.strided.scatter [tilespmem:s15], [sflag:$0x2], $0x4000, s9, s14, $0x20;
	[tilespmem:$0x10100] =	vst v63  }
.LBB1_5:
0x1a: {  	s15 =	sadd.s32 $0x4, s10  }
0x1b: {  	s13 =	sadd.s32 $0x400, s11;
	s17 =	smov.u32 s11;
	p2 =	sgt.s32 s15, $0xC7  }
0x1c: {  	s17 =	smov.u32 @p2 s13  }
0x1d: {  	s15 =	smov.u32 @p2 s7;
	p2 =	sgt.s32 s17, $0x3FF  }
0x1e: {  	s17 =	smov.u32 @p2 s3;
	p2 =	sne.s32 s12, s8  }
.Ltmp1:
0x1f: {  	p1 =	slt.u32 s12, $0x2;
	(pc) =	sbr.rel @!p2 .LBB1_6-.Ltmp1, $4  }
0x20: {  	s16 =	simm.s32 @!p1 $0x2  }
0x21: {  	s14 =	smov.u32 s11;
	p0 =	por !p0, !p0;
	_ =	swait.ge @!p1 [sflag:s16], $0x4000  }
0x22: {  	s13 =	smov.u32 s10;
	[sflag:s16] =	ssyncset.done @!p1 $0x0;
	s10 =	smov.u32 s15  }
0x23: {  	s12 =	sadd.s32 $0x1, s12;
	[sflag:s16] =	ssyncadd.s32 @!p1 $0xFFFFC000;
	s11 =	smov.u32 s17  }
.LBB1_1:
0x24: {  	p1 =	sge.u32 s12, s5  }
0x25: {  	s15 =	sand.u32 @!p1 $0x1FFFFFF, s10  }
0x26: {  	s16 =	smulhi.u32 @!p1 $0x147AE15, s15;
	_ =	sdelay $0x1  }
0x27: {  	s16 =	smul.u32 @!p1 $0xC8, s16  }
0x28: {  	s17 =	sxor.u32 @!p1 $0xFFFFFFFF, s12;
	s18 =	smul.u32 @!p1 $0xC80, s11  }
0x29: {  	s31 =	sadd.s32 $0xFFFFFFFF, s12;
	s17 =	sshll.u32 @!p1 s17, $0xE;
	s15 =	ssub.s32 @!p1 s15, s16  }
0x2a: {  	s16 =	sand.u32 @!p1 $0x4000, s17;
	s17 =	sadd.s32 @!p1 s6, s18;
	s15 =	sshll.u32 @!p1 s15, $0x4  }
0x2b: {  	s18 =	simm.s32 @!p1 $0x6400;
	s15 =	sadd.s32 @!p1 s15, s17;
	s17 =	simm.s32 @!p1 $0x80  }
0x2c: {  	[tilespmem:s16], [sflag:$0x1] =	stream.strided.gather @!p1 [hbm4b:s15+s17], $0x4000, s18, s17, $0x38;
	[tilespmem:$0x10100] =	vst v63  }
0x2d: {  	p1 =	sge.u32 s31, s5  }
.Ltmp2:
0x2e: {  	_ = 	snop;
	(pc) =	sbr.rel @p1 .LBB1_5-.Ltmp2, $1  }
0x2f: {  	_ =	sdelay $0x3  }
0x30: {  	s15 =	simm.s32 $0x1  }
0x31: {  	_ =	swait.ge [sflag:s4], $0x4000;
	s15 =	simm.s32 @!p0 $0x0  }
0x32: {  	[sflag:s4] =	ssyncset.done $0x0;
	s16 =	sshll.u32 s15, $0xE  }
0x33: {  	[sflag:s4] =	ssyncadd.s32 $0xFFFFC000;
	s18 =	sor.u32 $0x40, s16  }
0x34: {  	s15 =	smul.u32 $0x10200, s15;
	v0 =	vld [tilespmem:s18+$0x30]  }
0x35: {  	v3 =	vld [tilespmem:s18+$0xFFFFFFD0]  }
0x36: {  	s15 =	sshrl.u32 s15, $0x2;
	v4 =	vld [tilespmem:s18+$0xFFFFFFE0]  }
0x37: {  	v5 =	vld [tilespmem:s18+$0xFFFFFFF0];
	s16 =	sor.u32 $0x8000, s15  }
0x38: {  	s31 =	sand.u32 $0x1, s12;
	v1 =	vld [tilespmem:s18+$0x0];
	s17 =	sadd.s32 $0x0, s16  }
0x39: {  	v2 =	vld [tilespmem:s18+$0x10];
	s15 =	smul.u32 $0x10200, s31;
	[tilespmem:s17+$0x3870 ss:$0x81] =	vst.msk $0xffff, v0  }
0x3a: {  	[tilespmem:s17+$0x810 ss:$0x81] =	vst.msk $0xffff, v3;
	v3 =	vld [tilespmem:s18+$0x20]  }
0x3b: {  	s15 =	sshrl.u32 s15, $0x2;
	v0 =	vld [tilespmem:s18+$0xFFFFFFC0];
	[tilespmem:s17+$0x1020 ss:$0x81] =	vst.msk $0xffff, v4;
	s18 =	sadd.s32 $0x80, s18  }
0x3c: {  	s19 =	simm.s32 $0x4;
	s20 =	simm.s32 $0x8;
	s15 =	sor.u32 $0x8000, s15;
	[tilespmem:s17+$0x1830 ss:$0x81] =	vst.msk $0xffff, v5;
	v4 =	vld [tilespmem:s18+$0x30]  }
.LBB1_3:
0x3d: {  	p1 =	sne.s32 s20, $0x1FC;
	v5 =	vld [tilespmem:s18+$0xFFFFFFD0];
	[tilespmem:s17+$0x2040 ss:$0x81] =	vst.msk $0xffff, v1  }
0x3e: {  	v6 =	vld [tilespmem:s18+$0xFFFFFFE0];
	[tilespmem:s17+$0x2850 ss:$0x81] =	vst.msk $0xffff, v2  }
0x3f: {  	s21 =	sshra.s32 s19, $0x2;
	s19 =	smov.u32 s20;
	v7 =	vld [tilespmem:s18+$0xFFFFFFF0];
	[tilespmem:s17+$0x3060 ss:$0x81] =	vst.msk $0xffff, v3  }
.Ltmp3:
0x40: {  	v1 =	vld [tilespmem:s18+$0x0];
	[tilespmem:s17+$0x0 ss:$0x81] =	vst.msk $0xffff, v0;
	s17 =	sadd.s32 s21, s16;
	(pc) =	sbr.rel @p1 .LBB1_3-.Ltmp3, $4  }
0x41: {  	v2 =	vld [tilespmem:s18+$0x10];
	[tilespmem:s17+$0x3870 ss:$0x81] =	vst.msk $0xffff, v4  }
0x42: {  	[tilespmem:s17+$0x810 ss:$0x81] =	vst.msk $0xffff, v5;
	v3 =	vld [tilespmem:s18+$0x20]  }
0x43: {  	v0 =	vld [tilespmem:s18+$0xFFFFFFC0];
	[tilespmem:s17+$0x1020 ss:$0x81] =	vst.msk $0xffff, v6;
	s18 =	sadd.s32 $0x80, s18  }
0x44: {  	s20 =	sadd.s32 $0x4, s20;
	v4 =	vld [tilespmem:s18+$0x30];
	[tilespmem:s17+$0x1830 ss:$0x81] =	vst.msk $0xffff, v7  }
.Ltmp4:
0x45: {  	_ = 	snop;
	(pc) =	sbr.rel .LBB1_4-.Ltmp4, $1  }
0x46: {  	_ =	sdelay $0x3  }
.LBB1_6:
0x47: {  	_ =	sfence.sel $0x180000  }
0x48: {  	s2 =	simm.s32 $0x1;
	[bflag:$0x0] =	sbarrier.arrive $0xFFFF  }
0x49: {  	s31 =	simm.s32 $0x2;
	[sflag:s2] =	ssyncpa.u1 $0x1  }
0x4a: {  	[sflag:s31] =	ssyncpa.u1 $0x1  }
0x4b: {  	p0 =	sne.s32 s0, $0x0;
	_ =	strace $0x9000004A  }
0x4c: {  	s0 =	sadd.s32 @!p0 $0x100000, s1;
	[bflag:$0x2] =	sbarrier.arrive $0xFFFF  }
0x4d: {  	[sflag:s0] =	ssyncadd.tile.s32 @!p0 $0x1;
	_ =	shalt  }
.Lfunc_end1:
_tile_overlayer_lowered:
.L_overlay_start_2:
0x4e: {  	(tag) =	ssettag $0x2  }
0x4f: {  	s0 =	rddreg [dreg:$0x0];
	s2 =	stileid.u32  }
0x50: {  	s1 =	rddreg [dreg:$0x1];
	p0 =	sne.s32 s2, $0x0  }
0x51: {  	s3 =	rddreg [dreg:$0x2];
	[bflag:$0x3] =	sbarrier.arrive $0xFFFF;
	s2 =	simm.s32 @!p0 $0x1C01  }
0x52: {  	[timem:s3], [sflag:s2] =	dma.local @!p0 [hbm:s0], s1  }
0x53: {  	s0 =	simm.s32 @!p0 $0x1  }
0x54: {  	_ =	swait.ge @!p0 [sflag:s0], s1  }
0x55: {  	s1 =	ssub.s32 @!p0 $0x0, s1;
	[sflag:s0] =	ssyncset.done @!p0 $0x0  }
0x56: {  	[sflag:s0] =	ssyncadd.s32 @!p0 s1  }
0x57: {  	[bflag:$0x3] =	sbarrier.arrive $0xFFFF  }
0x58: {  	_ =	shalt  }

</sc_bundles>
